<compile_context>
chip_gen: v7x
topology: tpu7x:2x2x1
jax: 0.10.2.dev20260603
libtpu: 0.0.44.dev20260713+nightly
codegen_flags: <defaults>
</compile_context>

<pallas_src>
import functools

import jax
import jax.numpy as jnp
from jax import lax
from jax.experimental import pallas as pl
from jax.experimental.pallas import tpu as pltpu
from jax.experimental.pallas import tpu_sc as plsc

_N = 100000
_C = 128
_B = 512
_T = 4

_BLK = 1024
_PG = 32
_NW = 32
_CH = 96
_NCH = 38
_RPW = _CH * _NCH
_NP = _NW * _RPW
_NBLK = _NP // _BLK
_W = 48
_BP = _B + _W


def _sc_gather(x, src2):
    mesh = plsc.VectorSubcoreMesh(core_axis_name="c", subcore_axis_name="s")

    @functools.partial(
        pl.kernel,
        out_type=jax.ShapeDtypeStruct((_NP, _C), jnp.float32),
        mesh=mesh,
        scratch_types=[
            pltpu.VMEM((_NCH, _CH), jnp.int32),
            pltpu.VMEM((_CH, _C), jnp.float32),
            pltpu.VMEM((_CH, _C), jnp.float32),
            pltpu.SemaphoreType.DMA,
            pltpu.SemaphoreType.DMA,
        ],
    )
    def gather_k(x_hbm, src_hbm, out_hbm, idx_v, buf0, buf1, sem0, sem1):
        wid = lax.axis_index("s") * 2 + lax.axis_index("c")
        base = wid * _RPW
        pltpu.sync_copy(src_hbm.at[wid], idx_v)

        def step(i, _):
            j0 = 2 * i
            j1 = 2 * i + 1
            cp0 = pltpu.async_copy(x_hbm.at[idx_v.at[j0]], buf0, sem0)
            cp1 = pltpu.async_copy(x_hbm.at[idx_v.at[j1]], buf1, sem1)
            cp0.wait()
            pltpu.sync_copy(buf0, out_hbm.at[pl.ds(base + j0 * _CH, _CH)])
            cp1.wait()
            pltpu.sync_copy(buf1, out_hbm.at[pl.ds(base + j1 * _CH, _CH)])
            return 0

        lax.fori_loop(0, _NCH // 2, step, 0)

    return gather_k(x, src2)


def _tc_body(bases_ref, x_ref, bat_ref, wih_ref, whh_ref, bias_ref, out_ref,
             qs_s, hp_s, c_s, m_s, d_s, s_s):
    t = pl.program_id(0)
    nb = pl.program_id(1)
    neg = jnp.float32(-jnp.inf)

    @pl.when(jnp.logical_and(t == 0, nb == 0))
    def _init():
        qs_s[...] = jnp.zeros_like(qs_s)
        hp_s[...] = jnp.zeros_like(hp_s)
        c_s[...] = jnp.zeros_like(c_s)

    @pl.when(nb == 0)
    def _lstm():
        gates = (
            jax.lax.dot_general(qs_s[...], wih_ref[...], (((1,), (1,)), ((), ())),
                                preferred_element_type=jnp.float32)
            + jax.lax.dot_general(hp_s[0:_B, :], whh_ref[...], (((1,), (1,)), ((), ())),
                                  preferred_element_type=jnp.float32)
            + bias_ref[...]
        )
        i_g = jax.nn.sigmoid(gates[:, 0 * _C:1 * _C])
        f_g = jax.nn.sigmoid(gates[:, 1 * _C:2 * _C])
        g_g = jnp.tanh(gates[:, 2 * _C:3 * _C])
        o_g = jax.nn.sigmoid(gates[:, 3 * _C:4 * _C])
        c = f_g * c_s[...] + i_g * g_g
        hp_s[0:_B, :] = o_g * jnp.tanh(c)
        c_s[...] = c
        m_s[...] = jnp.full_like(m_s, neg)
        d_s[...] = jnp.zeros_like(d_s)
        s_s[...] = jnp.zeros_like(s_s)

    base8 = pl.multiple_of((bases_ref[nb] // 8) * 8, 8)
    xb = x_ref[...]
    bat = bat_ref[0]

    seg = jax.lax.broadcasted_iota(jnp.int32, (_W, _BLK), 0) + base8
    onehot = seg == bat

    q_win = hp_s[pl.ds(base8, _W), :]
    xq = jax.lax.dot_general(q_win, xb, (((1,), (1,)), ((), ())),
                             preferred_element_type=jnp.float32)
    masked = jnp.where(onehot, xq, neg)
    m_old = m_s[pl.ds(base8, _W), :]
    m_new = jnp.maximum(m_old, jnp.max(masked, axis=1, keepdims=True))
    scale = jnp.where(m_old > neg, jnp.exp(m_old - m_new), 0.0)

    diff = jnp.sum(jnp.where(onehot, xq - m_new, 0.0), axis=0, keepdims=True)
    w_node = jnp.exp(diff)
    wmat = jnp.where(onehot, w_node, 0.0)

    d_s[pl.ds(base8, _W), :] = (d_s[pl.ds(base8, _W), :] * scale
                                + jnp.sum(wmat, axis=1, keepdims=True))
    s_s[pl.ds(base8, _W), :] = (s_s[pl.ds(base8, _W), :] * scale
                                + jax.lax.dot_general(
                                    wmat, xb, (((1,), (0,)), ((), ())),
                                    preferred_element_type=jnp.float32))
    m_s[pl.ds(base8, _W), :] = m_new

    @pl.when(nb == _NBLK - 1)
    def _finalize():
        r = s_s[0:_B, :] / (d_s[0:_B, :] + 1e-16)
        qs_s[...] = jnp.concatenate([hp_s[0:_B, :], r], axis=1)

    @pl.when(jnp.logical_and(t == _T - 1, nb == _NBLK - 1))
    def _emit():
        out_ref[...] = qs_s[...]


@jax.jit
def kernel(x, batch, W_ih, W_hh, b_ih, b_hh):
    bat = batch.astype(jnp.int32)

    b_all = jnp.arange(_B + 1, dtype=jnp.int32)
    starts_tbl = jnp.sum((bat[None, :] < b_all[:, None]).astype(jnp.int32), axis=1)
    counts = starts_tbl[1:] - starts_tbl[:-1]
    pn = ((counts + _PG - 1) // _PG) * _PG
    pstart = jnp.concatenate(
        [jnp.zeros((1,), jnp.int32), jnp.cumsum(pn)]).astype(jnp.int32)
    estart = pstart[:-1] + counts
    dshift = pstart[:-1] - starts_tbl[:-1]

    npg = _NP // _PG
    cpos = jnp.arange(npg, dtype=jnp.int32) * _PG
    elig = pstart[:-1][:, None] <= cpos[None, :]
    d_c = jnp.max(jnp.where(elig, dshift[:, None], 0), axis=0)
    e_c = jnp.max(jnp.where(elig, estart[:, None], 0), axis=0)
    seg_c = jnp.sum((pstart[1:][:, None] <= cpos[None, :]).astype(jnp.int32), axis=0)
    rep = lambda a: jnp.broadcast_to(a[:, None], (npg, _PG)).reshape(_NP)
    pos = jnp.arange(_NP, dtype=jnp.int32)
    is_real = pos < rep(e_c)
    src = jnp.clip(jnp.where(is_real, pos - rep(d_c), pos % _N), 0, _N - 1)
    bat_p = jnp.where(is_real, rep(seg_c), _B).astype(jnp.int32)
    bases = jnp.minimum(seg_c[::_BLK // _PG], _B - 1).astype(jnp.int32)

    xp = _sc_gather(x, src.reshape(_NW, _NCH, _CH))

    batp3 = bat_p.reshape(_NBLK, 1, _BLK)
    bias = (b_ih + b_hh).reshape(1, 4 * _C)

    grid_spec = pltpu.PrefetchScalarGridSpec(
        num_scalar_prefetch=1,
        grid=(_T, _NBLK),
        in_specs=[
            pl.BlockSpec((_BLK, _C), lambda t, nb, bases: (nb, 0)),
            pl.BlockSpec((1, 1, _BLK), lambda t, nb, bases: (nb, 0, 0)),
            pl.BlockSpec((4 * _C, 2 * _C), lambda t, nb, bases: (0, 0)),
            pl.BlockSpec((4 * _C, _C), lambda t, nb, bases: (0, 0)),
            pl.BlockSpec((1, 4 * _C), lambda t, nb, bases: (0, 0)),
        ],
        out_specs=pl.BlockSpec((_B, 2 * _C), lambda t, nb, bases: (0, 0)),
        scratch_shapes=[
            pltpu.VMEM((_B, 2 * _C), jnp.float32),
            pltpu.VMEM((_BP, _C), jnp.float32),
            pltpu.VMEM((_B, _C), jnp.float32),
            pltpu.VMEM((_BP, 1), jnp.float32),
            pltpu.VMEM((_BP, 1), jnp.float32),
            pltpu.VMEM((_BP, _C), jnp.float32),
        ],
    )
    return pl.pallas_call(
        _tc_body,
        grid_spec=grid_spec,
        out_shape=jax.ShapeDtypeStruct((_B, 2 * _C), jnp.float32),
        compiler_params=pltpu.CompilerParams(
            dimension_semantics=("arbitrary", "arbitrary"),
        ),
    )(bases, xp, batp3, W_ih, W_hh, bias)

# --- scband reference (transcript-rebuilt; emitter-appended) ---
"""Pipeline reference for scband-set2-set-18133351924444 (READ-ONLY COPY).

The authoritative reference and input builder live on the scoring server;
editing this copy changes nothing except your own understanding.
"""

import jax, jax.numpy as jnp
import numpy as np

N = 100000
C = 128
B = 512
T = 4

def setup_inputs(seed: int = 0) -> dict:
    key = jax.random.key(seed)
    k1, k2, k3, k4, k5, k6 = jax.random.split(key, 6)
    x = jax.random.normal(k1, (N, C), dtype=jnp.float32)
    batch = jnp.sort(jax.random.randint(k2, (N,), 0, B))
    s = 1.0 / np.sqrt(C)
    W_ih = jax.random.uniform(k3, (4 * C, 2 * C), minval=-s, maxval=s, dtype=jnp.float32)
    W_hh = jax.random.uniform(k4, (4 * C, C), minval=-s, maxval=s, dtype=jnp.float32)
    b_ih = jax.random.uniform(k5, (4 * C,), minval=-s, maxval=s, dtype=jnp.float32)
    b_hh = jax.random.uniform(k6, (4 * C,), minval=-s, maxval=s, dtype=jnp.float32)
    return {"x": x, "batch": batch, "W_ih": W_ih, "W_hh": W_hh, "b_ih": b_ih, "b_hh": b_hh}

def reference(x, batch, W_ih, W_hh, b_ih, b_hh):
    h = jnp.zeros((B, C), dtype=x.dtype)
    c = jnp.zeros((B, C), dtype=x.dtype)
    q_star = jnp.zeros((B, 2 * C), dtype=x.dtype)
    for _ in range(T):
        gates = q_star @ W_ih.T + h @ W_hh.T + b_ih + b_hh
        i_g, f_g, g_g, o_g = jnp.split(gates, 4, axis=-1)
        i_g = jax.nn.sigmoid(i_g)
        f_g = jax.nn.sigmoid(f_g)
        g_g = jnp.tanh(g_g)
        o_g = jax.nn.sigmoid(o_g)
        c = f_g * c + i_g * g_g
        h = o_g * jnp.tanh(c)
        q = h
        e = jnp.sum(x * q[batch], axis=-1, keepdims=True)
        e_max = jax.ops.segment_max(e, batch, num_segments=B)
        e_max = jnp.where(jnp.isfinite(e_max), e_max, 0.0)
        a_num = jnp.exp(e - e_max[batch])
        denom = jax.ops.segment_sum(a_num, batch, num_segments=B) + 1e-16
        a = a_num / denom[batch]
        r = jax.ops.segment_sum(a * x, batch, num_segments=B)
        q_star = jnp.concatenate([q, r], axis=-1)
    return q_star

if __name__ == "__main__":
    import jax
    _d = setup_inputs()
    print(jax.jit(kernel)(*tuple(_d.values())))

</pallas_src>

<mosaic_0001>
#map = affine_map<(d0, d1) -> (0, 0)>
#map1 = affine_map<(d0, d1) -> (0, 0, 0)>
module attributes {stable_mosaic.version = 14 : i64} {
  func.func @gather_k(%arg0: i32, %arg1: i32, %arg2: memref<100000x128xf32, #tpu.memory_space<hbm>>, %arg3: memref<32x38x96xi32, #tpu.memory_space<hbm>>, %arg4: memref<116736x128xf32, #tpu.memory_space<hbm>>, %arg5: memref<38x96xi32, #tpu.memory_space<vmem>>, %arg6: memref<96x128xf32, #tpu.memory_space<vmem>>, %arg7: memref<96x128xf32, #tpu.memory_space<vmem>>, %arg8: memref<!tpu.dma_semaphore, #tpu.memory_space<semaphore_mem>>, %arg9: memref<!tpu.dma_semaphore, #tpu.memory_space<semaphore_mem>>) attributes {dimension_semantics = [#tpu.dimension_semantics<core_parallel>, #tpu.dimension_semantics<subcore_parallel>], iteration_bounds = array<i64: 2, 16>, scalar_prefetch = 0 : i64, scratch_operands = 5 : i64, tpu.core_type = #tpu.core_type<sc_vector_subcore>, window_params = [{transform_indices = #map}, {transform_indices = #map1}, {transform_indices = #map}]} {
    %mul3A = arith.constant 2 : i32
    %mul3A_0 = arith.muli %arg1, %mul3A : i32
    %add3A = arith.addi %mul3A_0, %arg0 : i32
    %mul3A_1 = arith.constant 3648 : i32
    %mul3A_2 = arith.muli %add3A, %mul3A_1 : i32
    "tpu.region"() ({
      %run_scoped3A = tpu.sem_alloc : memref<!tpu.dma_semaphore, #tpu.memory_space<semaphore_mem>>
      %dma_start3A = arith.constant 0 : i32
      %dma_start3A_9 = arith.constant 0 : i32
      %dma_start3A_10 = tpu.memref_slice %arg3[%add3A, %dma_start3A, %dma_start3A_9] : memref<32x38x96xi32, #tpu.memory_space<hbm>> -> memref<1x38x96xi32, #tpu.memory_space<hbm>>
      %dma_start3A_11 = tpu.memref_squeeze %dma_start3A_10 : memref<1x38x96xi32, #tpu.memory_space<hbm>> -> memref<38x96xi32, #tpu.memory_space<hbm>>
      %dma_start3A_12 = arith.constant 0 : i32
      %dma_start3A_13 = arith.constant 0 : i32
      %dma_start3A_14 = tpu.memref_slice %arg3[%add3A, %dma_start3A_12, %dma_start3A_13] : memref<32x38x96xi32, #tpu.memory_space<hbm>> -> memref<1x38x96xi32, #tpu.memory_space<hbm>>
      %dma_start3A_15 = tpu.memref_squeeze %dma_start3A_14 : memref<1x38x96xi32, #tpu.memory_space<hbm>> -> memref<38x96xi32, #tpu.memory_space<hbm>>
      tpu.enqueue_dma source(%dma_start3A_15 : memref<38x96xi32, #tpu.memory_space<hbm>>) target(%arg5 : memref<38x96xi32, #tpu.memory_space<vmem>>) target_semaphore(%run_scoped3A : memref<!tpu.dma_semaphore, #tpu.memory_space<semaphore_mem>>)
      %dma_wait3A = arith.constant 0 : i32
      %dma_wait3A_16 = arith.constant 0 : i32
      %dma_wait3A_17 = tpu.memref_slice %arg3[%add3A, %dma_wait3A, %dma_wait3A_16] : memref<32x38x96xi32, #tpu.memory_space<hbm>> -> memref<1x38x96xi32, #tpu.memory_space<hbm>>
      %dma_wait3A_18 = tpu.memref_squeeze %dma_wait3A_17 : memref<1x38x96xi32, #tpu.memory_space<hbm>> -> memref<38x96xi32, #tpu.memory_space<hbm>>
      %dma_wait3A_19 = arith.constant 0 : i32
      %dma_wait3A_20 = arith.constant 0 : i32
      %dma_wait3A_21 = tpu.memref_slice %arg3[%add3A, %dma_wait3A_19, %dma_wait3A_20] : memref<32x38x96xi32, #tpu.memory_space<hbm>> -> memref<1x38x96xi32, #tpu.memory_space<hbm>>
      %dma_wait3A_22 = tpu.memref_squeeze %dma_wait3A_21 : memref<1x38x96xi32, #tpu.memory_space<hbm>> -> memref<38x96xi32, #tpu.memory_space<hbm>>
      tpu.wait_dma2 semaphore(%run_scoped3A : memref<!tpu.dma_semaphore, #tpu.memory_space<semaphore_mem>>) src(%dma_wait3A_22 : memref<38x96xi32, #tpu.memory_space<hbm>>) dst(%arg5 : memref<38x96xi32, #tpu.memory_space<vmem>>)
      tpu.yield
    }) : () -> ()
    %scan3A = arith.constant 0 : i32
    %scan3A_3 = arith.constant 0 : i32
    %scan3A_4 = arith.constant 19 : i32
    %scan3A_5 = arith.addi %scan3A_3, %scan3A_4 : i32
    %scan3A_6 = arith.constant 1 : i32
    %scan3A_7 = scf.for %scan3A_9 = %scan3A_3 to %scan3A_5 step %scan3A_6 iter_args(%scan3A_10 = %scan3A) -> (i32)  : i32 {
      %mul3A_11 = arith.constant 2 : i32
      %mul3A_12 = arith.muli %mul3A_11, %scan3A_9 : i32
      %mul3A_13 = arith.constant 2 : i32
      %mul3A_14 = arith.muli %mul3A_13, %scan3A_9 : i32
      %add3A_15 = arith.constant 1 : i32
      %add3A_16 = arith.addi %mul3A_14, %add3A_15 : i32
      %dma_start3A = arith.constant 0 : i32
      %dma_start3A_17 = tpu.memref_slice %arg5[%mul3A_12, %dma_start3A] : memref<38x96xi32, #tpu.memory_space<vmem>> -> memref<1x96xi32, #tpu.memory_space<vmem>>
      %dma_start3A_18 = tpu.memref_squeeze %dma_start3A_17 : memref<1x96xi32, #tpu.memory_space<vmem>> -> memref<96xi32, #tpu.memory_space<vmem>>
      %dma_start3A_19 = arith.constant 0 : i32
      %dma_start3A_20 = arith.constant 0 : i32
      %dma_start3A_21 = tpu.memref_slice %arg2[%dma_start3A_19, %dma_start3A_20] : memref<100000x128xf32, #tpu.memory_space<hbm>> -> memref<100000x128xf32, #tpu.memory_space<hbm>>
      tpu.enqueue_indirect_dma source(%dma_start3A_21 : memref<100000x128xf32, #tpu.memory_space<hbm>>) target(%arg6 : memref<96x128xf32, #tpu.memory_space<vmem>>) offsets(%dma_start3A_18 : memref<96xi32, #tpu.memory_space<vmem>>) semaphore(%arg8 : memref<!tpu.dma_semaphore, #tpu.memory_space<semaphore_mem>>)
      %dma_start3A_22 = arith.constant 0 : i32
      %dma_start3A_23 = tpu.memref_slice %arg5[%add3A_16, %dma_start3A_22] : memref<38x96xi32, #tpu.memory_space<vmem>> -> memref<1x96xi32, #tpu.memory_space<vmem>>
      %dma_start3A_24 = tpu.memref_squeeze %dma_start3A_23 : memref<1x96xi32, #tpu.memory_space<vmem>> -> memref<96xi32, #tpu.memory_space<vmem>>
      %dma_start3A_25 = arith.constant 0 : i32
      %dma_start3A_26 = arith.constant 0 : i32
      %dma_start3A_27 = tpu.memref_slice %arg2[%dma_start3A_25, %dma_start3A_26] : memref<100000x128xf32, #tpu.memory_space<hbm>> -> memref<100000x128xf32, #tpu.memory_space<hbm>>
      tpu.enqueue_indirect_dma source(%dma_start3A_27 : memref<100000x128xf32, #tpu.memory_space<hbm>>) target(%arg7 : memref<96x128xf32, #tpu.memory_space<vmem>>) offsets(%dma_start3A_24 : memref<96xi32, #tpu.memory_space<vmem>>) semaphore(%arg9 : memref<!tpu.dma_semaphore, #tpu.memory_space<semaphore_mem>>)
      %dma_wait3A = arith.constant 0 : i32
      %dma_wait3A_28 = tpu.memref_slice %arg5[%mul3A_12, %dma_wait3A] : memref<38x96xi32, #tpu.memory_space<vmem>> -> memref<1x96xi32, #tpu.memory_space<vmem>>
      %dma_wait3A_29 = tpu.memref_squeeze %dma_wait3A_28 : memref<1x96xi32, #tpu.memory_space<vmem>> -> memref<96xi32, #tpu.memory_space<vmem>>
      %dma_wait3A_30 = arith.constant 0 : i32
      %dma_wait3A_31 = arith.constant 0 : i32
      %dma_wait3A_32 = tpu.memref_slice %arg2[%dma_wait3A_30, %dma_wait3A_31] : memref<100000x128xf32, #tpu.memory_space<hbm>> -> memref<100000x128xf32, #tpu.memory_space<hbm>>
      tpu.wait_indirect_dma semaphore(%arg8 : memref<!tpu.dma_semaphore, #tpu.memory_space<semaphore_mem>>) src(%dma_wait3A_32 : memref<100000x128xf32, #tpu.memory_space<hbm>>) dst(%arg6 : memref<96x128xf32, #tpu.memory_space<vmem>>)
      %mul3A_33 = arith.constant 96 : i32
      %mul3A_34 = arith.muli %mul3A_12, %mul3A_33 : i32
      %add3A_35 = arith.addi %mul3A_2, %mul3A_34 : i32
      "tpu.region"() ({
        %run_scoped3A = tpu.sem_alloc : memref<!tpu.dma_semaphore, #tpu.memory_space<semaphore_mem>>
        %dma_start3A_46 = arith.constant 0 : i32
        %dma_start3A_47 = tpu.memref_slice %arg4[%add3A_35, %dma_start3A_46] : memref<116736x128xf32, #tpu.memory_space<hbm>> -> memref<96x128xf32, #tpu.memory_space<hbm>>
        %dma_start3A_48 = arith.constant 0 : i32
        %dma_start3A_49 = tpu.memref_slice %arg4[%add3A_35, %dma_start3A_48] : memref<116736x128xf32, #tpu.memory_space<hbm>> -> memref<96x128xf32, #tpu.memory_space<hbm>>
        tpu.enqueue_dma source(%arg6 : memref<96x128xf32, #tpu.memory_space<vmem>>) target(%dma_start3A_49 : memref<96x128xf32, #tpu.memory_space<hbm>>) target_semaphore(%run_scoped3A : memref<!tpu.dma_semaphore, #tpu.memory_space<semaphore_mem>>)
        %dma_wait3A_50 = arith.constant 0 : i32
        %dma_wait3A_51 = tpu.memref_slice %arg4[%add3A_35, %dma_wait3A_50] : memref<116736x128xf32, #tpu.memory_space<hbm>> -> memref<96x128xf32, #tpu.memory_space<hbm>>
        %dma_wait3A_52 = arith.constant 0 : i32
        %dma_wait3A_53 = tpu.memref_slice %arg4[%add3A_35, %dma_wait3A_52] : memref<116736x128xf32, #tpu.memory_space<hbm>> -> memref<96x128xf32, #tpu.memory_space<hbm>>
        tpu.wait_dma2 semaphore(%run_scoped3A : memref<!tpu.dma_semaphore, #tpu.memory_space<semaphore_mem>>) src(%arg6 : memref<96x128xf32, #tpu.memory_space<vmem>>) dst(%dma_wait3A_53 : memref<96x128xf32, #tpu.memory_space<hbm>>)
        tpu.yield
      }) : () -> ()
      %dma_wait3A_36 = arith.constant 0 : i32
      %dma_wait3A_37 = tpu.memref_slice %arg5[%add3A_16, %dma_wait3A_36] : memref<38x96xi32, #tpu.memory_space<vmem>> -> memref<1x96xi32, #tpu.memory_space<vmem>>
      %dma_wait3A_38 = tpu.memref_squeeze %dma_wait3A_37 : memref<1x96xi32, #tpu.memory_space<vmem>> -> memref<96xi32, #tpu.memory_space<vmem>>
      %dma_wait3A_39 = arith.constant 0 : i32
      %dma_wait3A_40 = arith.constant 0 : i32
      %dma_wait3A_41 = tpu.memref_slice %arg2[%dma_wait3A_39, %dma_wait3A_40] : memref<100000x128xf32, #tpu.memory_space<hbm>> -> memref<100000x128xf32, #tpu.memory_space<hbm>>
      tpu.wait_indirect_dma semaphore(%arg9 : memref<!tpu.dma_semaphore, #tpu.memory_space<semaphore_mem>>) src(%dma_wait3A_41 : memref<100000x128xf32, #tpu.memory_space<hbm>>) dst(%arg7 : memref<96x128xf32, #tpu.memory_space<vmem>>)
      %mul3A_42 = arith.constant 96 : i32
      %mul3A_43 = arith.muli %add3A_16, %mul3A_42 : i32
      %add3A_44 = arith.addi %mul3A_2, %mul3A_43 : i32
      "tpu.region"() ({
        %run_scoped3A = tpu.sem_alloc : memref<!tpu.dma_semaphore, #tpu.memory_space<semaphore_mem>>
        %dma_start3A_46 = arith.constant 0 : i32
        %dma_start3A_47 = tpu.memref_slice %arg4[%add3A_44, %dma_start3A_46] : memref<116736x128xf32, #tpu.memory_space<hbm>> -> memref<96x128xf32, #tpu.memory_space<hbm>>
        %dma_start3A_48 = arith.constant 0 : i32
        %dma_start3A_49 = tpu.memref_slice %arg4[%add3A_44, %dma_start3A_48] : memref<116736x128xf32, #tpu.memory_space<hbm>> -> memref<96x128xf32, #tpu.memory_space<hbm>>
        tpu.enqueue_dma source(%arg7 : memref<96x128xf32, #tpu.memory_space<vmem>>) target(%dma_start3A_49 : memref<96x128xf32, #tpu.memory_space<hbm>>) target_semaphore(%run_scoped3A : memref<!tpu.dma_semaphore, #tpu.memory_space<semaphore_mem>>)
        %dma_wait3A_50 = arith.constant 0 : i32
        %dma_wait3A_51 = tpu.memref_slice %arg4[%add3A_44, %dma_wait3A_50] : memref<116736x128xf32, #tpu.memory_space<hbm>> -> memref<96x128xf32, #tpu.memory_space<hbm>>
        %dma_wait3A_52 = arith.constant 0 : i32
        %dma_wait3A_53 = tpu.memref_slice %arg4[%add3A_44, %dma_wait3A_52] : memref<116736x128xf32, #tpu.memory_space<hbm>> -> memref<96x128xf32, #tpu.memory_space<hbm>>
        tpu.wait_dma2 semaphore(%run_scoped3A : memref<!tpu.dma_semaphore, #tpu.memory_space<semaphore_mem>>) src(%arg7 : memref<96x128xf32, #tpu.memory_space<vmem>>) dst(%dma_wait3A_53 : memref<96x128xf32, #tpu.memory_space<hbm>>)
        tpu.yield
      }) : () -> ()
      %scan3A_45 = arith.constant 0 : i32
      scf.yield %scan3A_45 : i32
    }
    %scan3A_8 = arith.constant 19 : i32
    return
  }
}

module attributes {stable_mosaic.version = 14 : i64} {
  func.func @_tc_body(%arg0: i32, %arg1: i32, %arg2: memref<114xi32, #tpu.memory_space<smem>>, %arg3: memref<1024x128xf32, #tpu.memory_space<vmem>>, %arg4: memref<1x1x1024xi32, #tpu.memory_space<vmem>>, %arg5: memref<512x256xf32, #tpu.memory_space<vmem>>, %arg6: memref<512x128xf32, #tpu.memory_space<vmem>>, %arg7: memref<1x512xf32, #tpu.memory_space<vmem>>, %arg8: memref<512x256xf32, #tpu.memory_space<vmem>>, %arg9: memref<512x256xf32, #tpu.memory_space<vmem>>, %arg10: memref<560x128xf32, #tpu.memory_space<vmem>>, %arg11: memref<512x128xf32, #tpu.memory_space<vmem>>, %arg12: memref<560x1xf32, #tpu.memory_space<vmem>>, %arg13: memref<560x1xf32, #tpu.memory_space<vmem>>, %arg14: memref<560x128xf32, #tpu.memory_space<vmem>>) attributes {dimension_semantics = [#tpu.dimension_semantics<arbitrary>, #tpu.dimension_semantics<arbitrary>], iteration_bounds = array<i64: 4, 114>, scalar_prefetch = 1 : i64, scratch_operands = 6 : i64, tpu.core_type = #tpu.core_type<tc>, window_params = [{transform_indices = @transform_0, window_bounds = array<i64: 1024, 128>}, {transform_indices = @transform_1, window_bounds = array<i64: 1, 1, 1024>}, {pipeline_mode = #tpu.pipeline_mode<synchronous>, transform_indices = @transform_2, window_bounds = array<i64: 512, 256>}, {pipeline_mode = #tpu.pipeline_mode<synchronous>, transform_indices = @transform_3, window_bounds = array<i64: 512, 128>}, {pipeline_mode = #tpu.pipeline_mode<synchronous>, transform_indices = @transform_4, window_bounds = array<i64: 1, 512>}, {pipeline_mode = #tpu.pipeline_mode<synchronous>, transform_indices = @transform_5, window_bounds = array<i64: 512, 256>}]} {
    %eq3A = arith.constant 0 : i32
    %eq3A_0 = arith.cmpi eq, %arg0, %eq3A : i32
    %eq3A_1 = arith.constant 0 : i32
    %eq3A_2 = arith.cmpi eq, %arg1, %eq3A_1 : i32
    %and3A = arith.andi %eq3A_0, %eq3A_2 : i1
    %convert_element_type3A = arith.extui %and3A : i1 to i32
    %cond3A = arith.constant 0 : i32
    %cond3A_3 = arith.cmpi ne, %convert_element_type3A, %cond3A : i32
    scf.if %cond3A_3 {
      %broadcast_in_dim3A_107 = arith.constant 0.000000e+00 : f32
      %broadcast_in_dim3A_108 = vector.broadcast %broadcast_in_dim3A_107 : f32 to vector<512x256xf32>
      %swap3A_109 = arith.constant 0 : index
      %swap3A_110 = arith.constant 0 : index
      %swap3A_111 = vector.load %arg9[%swap3A_109, %swap3A_110] : memref<512x256xf32, #tpu.memory_space<vmem>>, vector<512x256xf32>
      tpu.vector_store %arg9[%swap3A_109, %swap3A_110], %broadcast_in_dim3A_108 {strides = array<i32>} : memref<512x256xf32, #tpu.memory_space<vmem>>, vector<512x256xf32>,
      %broadcast_in_dim3A_112 = arith.constant 0.000000e+00 : f32
      %broadcast_in_dim3A_113 = vector.broadcast %broadcast_in_dim3A_112 : f32 to vector<560x128xf32>
      %swap3A_114 = arith.constant 0 : index
      %swap3A_115 = arith.constant 0 : index
      %swap3A_116 = vector.load %arg10[%swap3A_114, %swap3A_115] : memref<560x128xf32, #tpu.memory_space<vmem>>, vector<560x128xf32>
      tpu.vector_store %arg10[%swap3A_114, %swap3A_115], %broadcast_in_dim3A_113 {strides = array<i32>} : memref<560x128xf32, #tpu.memory_space<vmem>>, vector<560x128xf32>,
      %broadcast_in_dim3A_117 = arith.constant 0.000000e+00 : f32
      %broadcast_in_dim3A_118 = vector.broadcast %broadcast_in_dim3A_117 : f32 to vector<512x128xf32>
      %swap3A_119 = arith.constant 0 : index
      %swap3A_120 = arith.constant 0 : index
      %swap3A_121 = vector.load %arg11[%swap3A_119, %swap3A_120] : memref<512x128xf32, #tpu.memory_space<vmem>>, vector<512x128xf32>
      tpu.vector_store %arg11[%swap3A_119, %swap3A_120], %broadcast_in_dim3A_118 {strides = array<i32>} : memref<512x128xf32, #tpu.memory_space<vmem>>, vector<512x128xf32>,
    } else {
    }
    %eq3A_4 = arith.constant 0 : i32
    %eq3A_5 = arith.cmpi eq, %arg1, %eq3A_4 : i32
    %convert_element_type3A_6 = arith.extui %eq3A_5 : i1 to i32
    %cond3A_7 = arith.constant 0xFF800000 : f32
    %cond3A_8 = arith.constant 0 : i32
    %cond3A_9 = arith.cmpi ne, %convert_element_type3A_6, %cond3A_8 : i32
    scf.if %cond3A_9 {
      %get3A_107 = arith.constant 0 : index
      %get3A_108 = arith.constant 0 : index
      %get3A_109 = vector.load %arg9[%get3A_107, %get3A_108] : memref<512x256xf32, #tpu.memory_space<vmem>>, vector<512x256xf32>
      %get3A_110 = arith.constant 0 : index
      %get3A_111 = arith.constant 0 : index
      %get3A_112 = vector.load %arg5[%get3A_110, %get3A_111] : memref<512x256xf32, #tpu.memory_space<vmem>>, vector<512x256xf32>
      %dot_general3A_113 = arith.constant dense<0.000000e+00> : vector<512x512xf32>
      %dot_general3A_114 = tpu.matmul %get3A_109, %get3A_112, %dot_general3A_113 {dimension_numbers = #tpu.dot_dimension_numbers<[1], [1], [0], [0], [0, 0, 1, 0], [], []>, transpose_lhs_hint = false} : vector<512x256xf32>, vector<512x256xf32>, vector<512x512xf32> -> vector<512x512xf32>
      %get3A_115 = arith.constant 0 : index
      %get3A_116 = arith.constant 0 : index
      %get3A_117 = vector.load %arg10[%get3A_115, %get3A_116] : memref<560x128xf32, #tpu.memory_space<vmem>>, vector<512x128xf32>
      %get3A_118 = arith.constant 0 : index
      %get3A_119 = arith.constant 0 : index
      %get3A_120 = vector.load %arg6[%get3A_118, %get3A_119] : memref<512x128xf32, #tpu.memory_space<vmem>>, vector<512x128xf32>
      %dot_general3A_121 = arith.constant dense<0.000000e+00> : vector<512x512xf32>
      %dot_general3A_122 = tpu.matmul %get3A_117, %get3A_120, %dot_general3A_121 {dimension_numbers = #tpu.dot_dimension_numbers<[1], [1], [0], [0], [0, 0, 1, 0], [], []>, transpose_lhs_hint = false} : vector<512x128xf32>, vector<512x128xf32>, vector<512x512xf32> -> vector<512x512xf32>
      %add3A_123 = arith.addf %dot_general3A_114, %dot_general3A_122 : vector<512x512xf32>
      %get3A_124 = arith.constant 0 : index
      %get3A_125 = arith.constant 0 : index
      %get3A_126 = vector.load %arg7[%get3A_124, %get3A_125] : memref<1x512xf32, #tpu.memory_space<vmem>>, vector<1x512xf32>
      %add3A_127 = vector.broadcast %get3A_126 : vector<1x512xf32> to vector<512x512xf32>
      %add3A_128 = arith.addf %add3A_123, %add3A_127 : vector<512x512xf32>
      %slice3A = vector.extract_strided_slice %add3A_128 {offsets = [0, 0], sizes = [512, 128], strides = [1, 1]} : vector<512x512xf32> to vector<512x128xf32>
      %logistic3A = arith.negf %slice3A : vector<512x128xf32>
      %logistic3A_129 = math.exp %logistic3A : vector<512x128xf32>
      %logistic3A_130 = arith.constant 1.000000e+00 : f32
      %logistic3A_131 = vector.broadcast %logistic3A_130 : f32 to vector<512x128xf32>
      %logistic3A_132 = arith.addf %logistic3A_131, %logistic3A_129 : vector<512x128xf32>
      %logistic3A_133 = arith.divf %logistic3A_131, %logistic3A_132 : vector<512x128xf32>
      %slice3A_134 = vector.extract_strided_slice %add3A_128 {offsets = [0, 128], sizes = [512, 128], strides = [1, 1]} : vector<512x512xf32> to vector<512x128xf32>
      %logistic3A_135 = arith.negf %slice3A_134 : vector<512x128xf32>
      %logistic3A_136 = math.exp %logistic3A_135 : vector<512x128xf32>
      %logistic3A_137 = arith.constant 1.000000e+00 : f32
      %logistic3A_138 = vector.broadcast %logistic3A_137 : f32 to vector<512x128xf32>
      %logistic3A_139 = arith.addf %logistic3A_138, %logistic3A_136 : vector<512x128xf32>
      %logistic3A_140 = arith.divf %logistic3A_138, %logistic3A_139 : vector<512x128xf32>
      %slice3A_141 = vector.extract_strided_slice %add3A_128 {offsets = [0, 256], sizes = [512, 128], strides = [1, 1]} : vector<512x512xf32> to vector<512x128xf32>
      %tanh3A = math.tanh %slice3A_141 : vector<512x128xf32>
      %slice3A_142 = vector.extract_strided_slice %add3A_128 {offsets = [0, 384], sizes = [512, 128], strides = [1, 1]} : vector<512x512xf32> to vector<512x128xf32>
      %logistic3A_143 = arith.negf %slice3A_142 : vector<512x128xf32>
      %logistic3A_144 = math.exp %logistic3A_143 : vector<512x128xf32>
      %logistic3A_145 = arith.constant 1.000000e+00 : f32
      %logistic3A_146 = vector.broadcast %logistic3A_145 : f32 to vector<512x128xf32>
      %logistic3A_147 = arith.addf %logistic3A_146, %logistic3A_144 : vector<512x128xf32>
      %logistic3A_148 = arith.divf %logistic3A_146, %logistic3A_147 : vector<512x128xf32>
      %get3A_149 = arith.constant 0 : index
      %get3A_150 = arith.constant 0 : index
      %get3A_151 = vector.load %arg11[%get3A_149, %get3A_150] : memref<512x128xf32, #tpu.memory_space<vmem>>, vector<512x128xf32>
      %mul3A_152 = arith.mulf %logistic3A_140, %get3A_151 : vector<512x128xf32>
      %mul3A_153 = arith.mulf %logistic3A_133, %tanh3A : vector<512x128xf32>
      %add3A_154 = arith.addf %mul3A_152, %mul3A_153 : vector<512x128xf32>
      %tanh3A_155 = math.tanh %add3A_154 : vector<512x128xf32>
      %mul3A_156 = arith.mulf %logistic3A_148, %tanh3A_155 : vector<512x128xf32>
      %swap3A_157 = arith.constant 0 : index
      %swap3A_158 = arith.constant 0 : index
      %swap3A_159 = vector.load %arg10[%swap3A_157, %swap3A_158] : memref<560x128xf32, #tpu.memory_space<vmem>>, vector<512x128xf32>
      tpu.vector_store %arg10[%swap3A_157, %swap3A_158], %mul3A_156 {strides = array<i32>} : memref<560x128xf32, #tpu.memory_space<vmem>>, vector<512x128xf32>,
      %swap3A_160 = arith.constant 0 : index
      %swap3A_161 = arith.constant 0 : index
      %swap3A_162 = vector.load %arg11[%swap3A_160, %swap3A_161] : memref<512x128xf32, #tpu.memory_space<vmem>>, vector<512x128xf32>
      tpu.vector_store %arg11[%swap3A_160, %swap3A_161], %add3A_154 {strides = array<i32>} : memref<512x128xf32, #tpu.memory_space<vmem>>, vector<512x128xf32>,
      %broadcast_in_dim3A_163 = vector.broadcast %cond3A_7 : f32 to vector<560x1xf32>
      %swap3A_164 = arith.constant 0 : index
      %swap3A_165 = arith.constant 0 : index
      %swap3A_166 = vector.load %arg12[%swap3A_164, %swap3A_165] : memref<560x1xf32, #tpu.memory_space<vmem>>, vector<560x1xf32>
      tpu.vector_store %arg12[%swap3A_164, %swap3A_165], %broadcast_in_dim3A_163 {strides = array<i32>} : memref<560x1xf32, #tpu.memory_space<vmem>>, vector<560x1xf32>,
      %broadcast_in_dim3A_167 = arith.constant 0.000000e+00 : f32
      %broadcast_in_dim3A_168 = vector.broadcast %broadcast_in_dim3A_167 : f32 to vector<560x1xf32>
      %swap3A_169 = arith.constant 0 : index
      %swap3A_170 = arith.constant 0 : index
      %swap3A_171 = vector.load %arg13[%swap3A_169, %swap3A_170] : memref<560x1xf32, #tpu.memory_space<vmem>>, vector<560x1xf32>
      tpu.vector_store %arg13[%swap3A_169, %swap3A_170], %broadcast_in_dim3A_168 {strides = array<i32>} : memref<560x1xf32, #tpu.memory_space<vmem>>, vector<560x1xf32>,
      %broadcast_in_dim3A_172 = arith.constant 0.000000e+00 : f32
      %broadcast_in_dim3A_173 = vector.broadcast %broadcast_in_dim3A_172 : f32 to vector<560x128xf32>
      %swap3A_174 = arith.constant 0 : index
      %swap3A_175 = arith.constant 0 : index
      %swap3A_176 = vector.load %arg14[%swap3A_174, %swap3A_175] : memref<560x128xf32, #tpu.memory_space<vmem>>, vector<560x128xf32>
      tpu.vector_store %arg14[%swap3A_174, %swap3A_175], %broadcast_in_dim3A_173 {strides = array<i32>} : memref<560x128xf32, #tpu.memory_space<vmem>>, vector<560x128xf32>,
    } else {
    }
    %get3A = arith.index_cast %arg1 : i32 to index
    %get3A_10 = memref.load %arg2[%get3A] : memref<114xi32, #tpu.memory_space<smem>>
    %jit3A = arith.constant 8 : i32
    %div3A = arith.divsi %get3A_10, %jit3A : i32
    %sign3A = arith.constant 0 : i32
    %sign3A_11 = arith.cmpi sgt, %get3A_10, %sign3A : i32
    %sign3A_12 = arith.extui %sign3A_11 : i1 to i32
    %sign3A_13 = arith.constant 0 : i32
    %sign3A_14 = arith.cmpi slt, %get3A_10, %sign3A_13 : i32
    %sign3A_15 = arith.extui %sign3A_14 : i1 to i32
    %sign3A_16 = arith.subi %sign3A_12, %sign3A_15 : i32
    %sign3A_17 = arith.constant 0 : i32
    %sign3A_18 = arith.cmpi sgt, %jit3A, %sign3A_17 : i32
    %sign3A_19 = arith.extui %sign3A_18 : i1 to i32
    %sign3A_20 = arith.constant 0 : i32
    %sign3A_21 = arith.cmpi slt, %jit3A, %sign3A_20 : i32
    %sign3A_22 = arith.extui %sign3A_21 : i1 to i32
    %sign3A_23 = arith.subi %sign3A_19, %sign3A_22 : i32
    %ne3A = arith.cmpi ne, %sign3A_16, %sign3A_23 : i32
    %rem3A = arith.remsi %get3A_10, %jit3A : i32
    %ne3A_24 = arith.constant 0 : i32
    %ne3A_25 = arith.cmpi ne, %rem3A, %ne3A_24 : i32
    %and3A_26 = arith.andi %ne3A, %ne3A_25 : i1
    %sub3A = arith.constant 1 : i32
    %sub3A_27 = arith.subi %div3A, %sub3A : i32
    %select_n3A = arith.select %and3A_26, %sub3A_27, %div3A : i32
    %mul3A = arith.constant 8 : i32
    %mul3A_28 = arith.muli %select_n3A, %mul3A : i32
    %multiple_of3A = tpu.assume_multiple %mul3A_28, 8 : i32
    %get3A_29 = arith.constant 0 : index
    %get3A_30 = arith.constant 0 : index
    %get3A_31 = vector.load %arg3[%get3A_29, %get3A_30] : memref<1024x128xf32, #tpu.memory_space<vmem>>, vector<1024x128xf32>
    %get3A_32 = arith.constant 0 : index
    %get3A_33 = arith.constant 0 : index
    %get3A_34 = arith.constant 0 : index
    %get3A_35 = vector.load %arg4[%get3A_32, %get3A_33, %get3A_34] : memref<1x1x1024xi32, #tpu.memory_space<vmem>>, vector<1x1x1024xi32>
    %get3A_36 = vector.shape_cast %get3A_35 : vector<1x1x1024xi32> to vector<1x1024xi32>
    %iota3A = tpu.iota {dimensions = array<i32: 0>} : vector<48x1024xi32>
    %add3A = vector.broadcast %multiple_of3A : i32 to vector<48x1024xi32>
    %add3A_37 = arith.addi %iota3A, %add3A : vector<48x1024xi32>
    %eq3A_38 = vector.broadcast %get3A_36 : vector<1x1024xi32> to vector<48x1024xi32>
    %eq3A_39 = arith.cmpi eq, %add3A_37, %eq3A_38 : vector<48x1024xi32>
    %get3A_40 = arith.index_cast %multiple_of3A : i32 to index
    %get3A_41 = arith.constant 0 : index
    %get3A_42 = vector.load %arg10[%get3A_40, %get3A_41] : memref<560x128xf32, #tpu.memory_space<vmem>>, vector<48x128xf32>
    %dot_general3A = arith.constant dense<0.000000e+00> : vector<48x1024xf32>
    %dot_general3A_43 = tpu.matmul %get3A_42, %get3A_31, %dot_general3A {dimension_numbers = #tpu.dot_dimension_numbers<[1], [1], [0], [0], [0, 0, 1, 0], [], []>, transpose_lhs_hint = false} : vector<48x128xf32>, vector<1024x128xf32>, vector<48x1024xf32> -> vector<48x1024xf32>
    %jit3A_44 = arith.constant 0xFF800000 : f32
    %broadcast_in_dim3A = vector.broadcast %jit3A_44 : f32 to vector<48x1024xf32>
    %select_n3A_45 = arith.select %eq3A_39, %dot_general3A_43, %broadcast_in_dim3A : vector<48x1024xi1>, vector<48x1024xf32>
    %get3A_46 = arith.index_cast %multiple_of3A : i32 to index
    %get3A_47 = arith.constant 0 : index
    %get3A_48 = vector.load %arg12[%get3A_46, %get3A_47] : memref<560x1xf32, #tpu.memory_space<vmem>>, vector<48x1xf32>
    %reduce_max3A = arith.constant dense<0xFF800000> : vector<48xf32>
    %reduce_max3A_49 = vector.multi_reduction <maximumf>, %select_n3A_45, %reduce_max3A [1] : vector<48x1024xf32> to vector<48xf32>
    %broadcast_in_dim3A_50 = vector.shape_cast %reduce_max3A_49 : vector<48xf32> to vector<48x1xf32>
    %max3A = arith.maximumf %get3A_48, %broadcast_in_dim3A_50 : vector<48x1xf32>
    %gt3A = arith.constant 0xFF800000 : f32
    %gt3A_51 = vector.broadcast %gt3A : f32 to vector<48x1xf32>
    %gt3A_52 = arith.cmpf ogt, %get3A_48, %gt3A_51 : vector<48x1xf32>
    %sub3A_53 = arith.subf %get3A_48, %max3A : vector<48x1xf32>
    %exp3A = math.exp %sub3A_53 : vector<48x1xf32>
    %jit3A_54 = arith.constant 0.000000e+00 : f32
    %broadcast_in_dim3A_55 = vector.broadcast %jit3A_54 : f32 to vector<48x1xf32>
    %select_n3A_56 = arith.select %gt3A_52, %exp3A, %broadcast_in_dim3A_55 : vector<48x1xi1>, vector<48x1xf32>
    %sub3A_57 = vector.broadcast %max3A : vector<48x1xf32> to vector<48x1024xf32>
    %sub3A_58 = arith.subf %dot_general3A_43, %sub3A_57 : vector<48x1024xf32>
    %jit3A_59 = arith.constant 0.000000e+00 : f32
    %broadcast_in_dim3A_60 = vector.broadcast %jit3A_59 : f32 to vector<48x1024xf32>
    %select_n3A_61 = arith.select %eq3A_39, %sub3A_58, %broadcast_in_dim3A_60 : vector<48x1024xi1>, vector<48x1024xf32>
    %reduce_sum3A = arith.constant dense<0.000000e+00> : vector<1024xf32>
    %reduce_sum3A_62 = vector.multi_reduction <add>, %select_n3A_61, %reduce_sum3A [0] : vector<48x1024xf32> to vector<1024xf32>
    %broadcast_in_dim3A_63 = vector.shape_cast %reduce_sum3A_62 : vector<1024xf32> to vector<1x1024xf32>
    %exp3A_64 = math.exp %broadcast_in_dim3A_63 : vector<1x1024xf32>
    %jit3A_65 = arith.constant 0.000000e+00 : f32
    %broadcast_in_dim3A_66 = vector.shape_cast %exp3A_64 : vector<1x1024xf32> to vector<1x1024xf32>
    %broadcast_in_dim3A_67 = vector.broadcast %broadcast_in_dim3A_66 : vector<1x1024xf32> to vector<48x1024xf32>
    %broadcast_in_dim3A_68 = vector.broadcast %jit3A_65 : f32 to vector<48x1024xf32>
    %select_n3A_69 = arith.select %eq3A_39, %broadcast_in_dim3A_67, %broadcast_in_dim3A_68 : vector<48x1024xi1>, vector<48x1024xf32>
    %get3A_70 = arith.index_cast %multiple_of3A : i32 to index
    %get3A_71 = arith.constant 0 : index
    %get3A_72 = vector.load %arg13[%get3A_70, %get3A_71] : memref<560x1xf32, #tpu.memory_space<vmem>>, vector<48x1xf32>
    %mul3A_73 = arith.mulf %get3A_72, %select_n3A_56 : vector<48x1xf32>
    %reduce_sum3A_74 = arith.constant dense<0.000000e+00> : vector<48xf32>
    %reduce_sum3A_75 = vector.multi_reduction <add>, %select_n3A_69, %reduce_sum3A_74 [1] : vector<48x1024xf32> to vector<48xf32>
    %broadcast_in_dim3A_76 = vector.shape_cast %reduce_sum3A_75 : vector<48xf32> to vector<48x1xf32>
    %add3A_77 = arith.addf %mul3A_73, %broadcast_in_dim3A_76 : vector<48x1xf32>
    %swap3A = arith.index_cast %multiple_of3A : i32 to index
    %swap3A_78 = arith.constant 0 : index
    %swap3A_79 = vector.load %arg13[%swap3A, %swap3A_78] : memref<560x1xf32, #tpu.memory_space<vmem>>, vector<48x1xf32>
    tpu.vector_store %arg13[%swap3A, %swap3A_78], %add3A_77 {strides = array<i32>} : memref<560x1xf32, #tpu.memory_space<vmem>>, vector<48x1xf32>,
    %get3A_80 = arith.index_cast %multiple_of3A : i32 to index
    %get3A_81 = arith.constant 0 : index
    %get3A_82 = vector.load %arg14[%get3A_80, %get3A_81] : memref<560x128xf32, #tpu.memory_space<vmem>>, vector<48x128xf32>
    %mul3A_83 = vector.broadcast %select_n3A_56 : vector<48x1xf32> to vector<48x128xf32>
    %mul3A_84 = arith.mulf %get3A_82, %mul3A_83 : vector<48x128xf32>
    %dot_general3A_85 = arith.constant dense<0.000000e+00> : vector<48x128xf32>
    %dot_general3A_86 = tpu.matmul %select_n3A_69, %get3A_31, %dot_general3A_85 {dimension_numbers = #tpu.dot_dimension_numbers<[1], [0], [0], [1], [0, 0, 1, 1], [], []>, transpose_lhs_hint = false} : vector<48x1024xf32>, vector<1024x128xf32>, vector<48x128xf32> -> vector<48x128xf32>
    %add3A_87 = arith.addf %mul3A_84, %dot_general3A_86 : vector<48x128xf32>
    %swap3A_88 = arith.index_cast %multiple_of3A : i32 to index
    %swap3A_89 = arith.constant 0 : index
    %swap3A_90 = vector.load %arg14[%swap3A_88, %swap3A_89] : memref<560x128xf32, #tpu.memory_space<vmem>>, vector<48x128xf32>
    tpu.vector_store %arg14[%swap3A_88, %swap3A_89], %add3A_87 {strides = array<i32>} : memref<560x128xf32, #tpu.memory_space<vmem>>, vector<48x128xf32>,
    %swap3A_91 = arith.index_cast %multiple_of3A : i32 to index
    %swap3A_92 = arith.constant 0 : index
    %swap3A_93 = vector.load %arg12[%swap3A_91, %swap3A_92] : memref<560x1xf32, #tpu.memory_space<vmem>>, vector<48x1xf32>
    tpu.vector_store %arg12[%swap3A_91, %swap3A_92], %max3A {strides = array<i32>} : memref<560x1xf32, #tpu.memory_space<vmem>>, vector<48x1xf32>,
    %eq3A_94 = arith.constant 113 : i32
    %eq3A_95 = arith.cmpi eq, %arg1, %eq3A_94 : i32
    %convert_element_type3A_96 = arith.extui %eq3A_95 : i1 to i32
    %cond3A_97 = arith.constant 0 : i32
    %cond3A_98 = arith.cmpi ne, %convert_element_type3A_96, %cond3A_97 : i32
    scf.if %cond3A_98 {
      %get3A_107 = arith.constant 0 : index
      %get3A_108 = arith.constant 0 : index
      %get3A_109 = vector.load %arg14[%get3A_107, %get3A_108] : memref<560x128xf32, #tpu.memory_space<vmem>>, vector<512x128xf32>
      %get3A_110 = arith.constant 0 : index
      %get3A_111 = arith.constant 0 : index
      %get3A_112 = vector.load %arg13[%get3A_110, %get3A_111] : memref<560x1xf32, #tpu.memory_space<vmem>>, vector<512x1xf32>
      %add3A_113 = arith.constant 1.000000e-16 : f32
      %add3A_114 = vector.broadcast %add3A_113 : f32 to vector<512x1xf32>
      %add3A_115 = arith.addf %get3A_112, %add3A_114 : vector<512x1xf32>
      %div3A_116 = vector.broadcast %add3A_115 : vector<512x1xf32> to vector<512x128xf32>
      %div3A_117 = arith.divf %get3A_109, %div3A_116 : vector<512x128xf32>
      %get3A_118 = arith.constant 0 : index
      %get3A_119 = arith.constant 0 : index
      %get3A_120 = vector.load %arg10[%get3A_118, %get3A_119] : memref<560x128xf32, #tpu.memory_space<vmem>>, vector<512x128xf32>
      %concatenate3A = tpu.concatenate %get3A_120, %div3A_117 in 1 : vector<512x128xf32>, vector<512x128xf32> -> vector<512x256xf32>
      %swap3A_121 = arith.constant 0 : index
      %swap3A_122 = arith.constant 0 : index
      %swap3A_123 = vector.load %arg9[%swap3A_121, %swap3A_122] : memref<512x256xf32, #tpu.memory_space<vmem>>, vector<512x256xf32>
      tpu.vector_store %arg9[%swap3A_121, %swap3A_122], %concatenate3A {strides = array<i32>} : memref<512x256xf32, #tpu.memory_space<vmem>>, vector<512x256xf32>,
    } else {
    }
    %eq3A_99 = arith.constant 3 : i32
    %eq3A_100 = arith.cmpi eq, %arg0, %eq3A_99 : i32
    %eq3A_101 = arith.constant 113 : i32
    %eq3A_102 = arith.cmpi eq, %arg1, %eq3A_101 : i32
    %and3A_103 = arith.andi %eq3A_100, %eq3A_102 : i1
    %convert_element_type3A_104 = arith.extui %and3A_103 : i1 to i32
    %cond3A_105 = arith.constant 0 : i32
    %cond3A_106 = arith.cmpi ne, %convert_element_type3A_104, %cond3A_105 : i32
    scf.if %cond3A_106 {
      %get3A_107 = arith.constant 0 : index
      %get3A_108 = arith.constant 0 : index
      %get3A_109 = vector.load %arg9[%get3A_107, %get3A_108] : memref<512x256xf32, #tpu.memory_space<vmem>>, vector<512x256xf32>
      %swap3A_110 = arith.constant 0 : index
      %swap3A_111 = arith.constant 0 : index
      %swap3A_112 = vector.load %arg8[%swap3A_110, %swap3A_111] : memref<512x256xf32, #tpu.memory_space<vmem>>, vector<512x256xf32>
      tpu.vector_store %arg8[%swap3A_110, %swap3A_111], %get3A_109 {strides = array<i32>} : memref<512x256xf32, #tpu.memory_space<vmem>>, vector<512x256xf32>,
    } else {
    }
    return
  }
  func.func @transform_0(%arg0: i32, %arg1: i32, %arg2: memref<114xi32, #tpu.memory_space<smem>>) -> (i32, i32) {
    %c0_i32 = arith.constant 0 : i32
    %c0_i32_0 = arith.constant 0 : i32
    return %arg1, %c0_i32 : i32, i32
  }
  func.func @transform_1(%arg0: i32, %arg1: i32, %arg2: memref<114xi32, #tpu.memory_space<smem>>) -> (i32, i32, i32) {
    %c0_i32 = arith.constant 0 : i32
    %c0_i32_0 = arith.constant 0 : i32
    %c0_i32_1 = arith.constant 0 : i32
    return %arg1, %c0_i32, %c0_i32_0 : i32, i32, i32
  }
  func.func @transform_2(%arg0: i32, %arg1: i32, %arg2: memref<114xi32, #tpu.memory_space<smem>>) -> (i32, i32) {
    %c0_i32 = arith.constant 0 : i32
    %c0_i32_0 = arith.constant 0 : i32
    %c0_i32_1 = arith.constant 0 : i32
    return %c0_i32, %c0_i32_0 : i32, i32
  }
  func.func @transform_3(%arg0: i32, %arg1: i32, %arg2: memref<114xi32, #tpu.memory_space<smem>>) -> (i32, i32) {
    %c0_i32 = arith.constant 0 : i32
    %c0_i32_0 = arith.constant 0 : i32
    %c0_i32_1 = arith.constant 0 : i32
    return %c0_i32, %c0_i32_0 : i32, i32
  }
  func.func @transform_4(%arg0: i32, %arg1: i32, %arg2: memref<114xi32, #tpu.memory_space<smem>>) -> (i32, i32) {
    %c0_i32 = arith.constant 0 : i32
    %c0_i32_0 = arith.constant 0 : i32
    %c0_i32_1 = arith.constant 0 : i32
    return %c0_i32, %c0_i32_0 : i32, i32
  }
  func.func @transform_5(%arg0: i32, %arg1: i32, %arg2: memref<114xi32, #tpu.memory_space<smem>>) -> (i32, i32) {
    %c0_i32 = arith.constant 0 : i32
    %c0_i32_0 = arith.constant 0 : i32
    %c0_i32_1 = arith.constant 0 : i32
    return %c0_i32, %c0_i32_0 : i32, i32
  }
}

</mosaic_0001>

<sc_bundles>
// kernel: kernel.4.cloned.1.call-start
scs
__scs_entry_jumppad:
0x0: {  	(pc) =	sbr.rel $0x88, $3  }
0x1: {  	(tag) =	ssettag $0x0;
	lr =	simm.s32 $0x1  }
0x2: {  	[smem:$0x3F9B] =	sst lr;
	_ =	strace $0xD0000000  }
0x3: {  	_ = 	snop  }
0x4: {  	_ = 	snop  }
0x5: {  	_ = 	snop  }
0x6: {  	_ = 	snop  }
0x7: {  	_ = 	snop  }
__scs_overlays_trampoline_lowered:
0x8: {  	[smem:$0x3FAA] =	sst s0  }
0x9: {  	[smem:$0x3FAB] =	sst s1  }
0xa: {  	[smem:$0x3FAC] =	sst s2  }
0xb: {  	[smem:$0x3FAD] =	sst s3  }
0xc: {  	[smem:$0x3FAE] =	sst s4  }
0xd: {  	[smem:$0x3FAF] =	sst s5  }
0xe: {  	[smem:$0x3FB0] =	sst s6  }
0xf: {  	[smem:$0x3FB1] =	sst s7  }
0x10: {  	[smem:$0x3FB2] =	sst s8  }
0x11: {  	[smem:$0x3FB3] =	sst s9;
	s0 =	simm.s32 @!p0 $0x0  }
0x12: {  	s1 =	sld [smem:$0x3F99];
	s0 =	simm.s32 @p0 $0x1  }
0x13: {  	[smem:$0x3FB4] =	sst s0;
	s0 =	simm.s32 @!p1 $0x0  }
0x14: {  	s2 =	sld [smem:$0x3F98];
	s0 =	simm.s32 @p1 $0x1  }
0x15: {  	[smem:$0x3FB5] =	sst s0;
	s0 =	simm.s32 @!p2 $0x0  }
0x16: {  	s3 =	sld [smem:$0x3FDB];
	s0 =	simm.s32 @p2 $0x1  }
0x17: {  	s4 =	simm.s32 $0x1BF5;
	[smem:$0x3FB7] =	sst s0  }
0x18: {  	s0 =	sld [smem:$0x3F9A];
	_ =	swait.ge [sflag:s4], $0x0  }
0x19: {  	s7 =	sld [smem:$0x3F9B]  }
0x1a: {  	s8 =	sadd.s32 $0xFFFFE003, lr  }
0x1b: {  	s9 =	sadd.s32 $0xFFFFFEF7, lr;
	s5 =	simm.s32 $0xFFFFFFFF;
	p2 =	slt.u32 s8, $0xFFFFF086  }
0x1c: {  	p1 =	slt.u32 s9, $0xF7A;
	s5 =	simm.s32 @!p2 $0x0  }
0x1d: {  	s5 =	simm.s32 @p1 $0x1;
	p0 =	seq.s32 s7, s2  }
0x1e: {  	s7 =	smul.u32 @!p0 $0xF7A, s2;
	p2 =	seq.s32 @!p0 s5, $0x0  }
0x1f: {  	s9 =	smul.u32 $0xF7A, s1;
	s8 =	simm.s32 @!p0 $0x1BF5;
	p2 =	por !p2, p0  }
0x20: {  	[sflag:s8] =	ssyncset.s32 @!p0 $0xFFFFF086;
	s6 =	sadd.s32 @!p0 s3, s7;
	s7 =	simm.s32 @!p0 $0x108  }
0x21: {  	s3 =	sadd.s32 s3, s9;
	s6 =	sadd.s32 @!p0 $0x88, s6;
	s7 =	simm.s32 @p2 $0x1082  }
0x22: {  	[simem:s7], [sflag:s8] =	dma.local @!p0 [hbm:s6], $0xF7A  }
0x23: {  	s9 =	sor.u32 $0xD0000000, s2;
	s6 =	simm.s32 $0x108;
	_ =	swait.ge @!p0 [sflag:s8], $0x0  }
0x24: {  	s3 =	sadd.s32 $0x88, s3;
	s6 =	simm.s32 @!p1 $0x1082;
	[sflag:s4] =	ssyncset.s32 $0xFFFFF086  }
0x25: {  	[simem:s6], [sflag:s4] =	dma.local [hbm:s3], $0xF7A  }
0x26: {  	[smem:$0x3F9B] =	sst s1;
	(tag) =	ssettag s2;
	_ =	strace s9  }
0x27: {  	s1 =	sld [smem:$0x3FAB]  }
0x28: {  	s2 =	sld [smem:$0x3FAC]  }
0x29: {  	s4 =	sld [smem:$0x3FAE]  }
0x2a: {  	p0 =	seq.s32 s5, $0x0;
	s5 =	sld [smem:$0x3FAF]  }
0x2b: {  	s6 =	sld [smem:$0x3FB0]  }
0x2c: {  	s7 =	sld [smem:$0x3FB1]  }
0x2d: {  	s3 =	simm.s32 $0x108;
	s8 =	sld [smem:$0x3FB2]  }
0x2e: {  	s3 =	simm.s32 @!p0 $0x1082;
	s9 =	sld [smem:$0x3FB3]  }
0x2f: {  	lr =	sadd.s32 s0, s3;
	s0 =	sld [smem:$0x3FAA]  }
0x30: {  	s3 =	sld [smem:$0x3FAD]  }
0x31: {  	[smem:$0x3FB6] =	sst s10  }
0x32: {  	s10 =	sld [smem:$0x3FB4];
	_ =	sdelay $0x3  }
0x33: {  	p0 =	seq.s32 s10, $0x1;
	s10 =	sld [smem:$0x3FB6];
	_ =	sdelay $0x3  }
0x34: {  	[smem:$0x3FB6] =	sst s10  }
0x35: {  	s10 =	sld [smem:$0x3FB5];
	_ =	sdelay $0x3  }
0x36: {  	p1 =	seq.s32 s10, $0x1;
	s10 =	sld [smem:$0x3FB6];
	_ =	sdelay $0x3  }
0x37: {  	[smem:$0x3FB6] =	sst s10  }
0x38: {  	s10 =	sld [smem:$0x3FB7]  }
0x39: {  	_ = 	snop;
	(pc) =	sbr.ind lr, $3  }
0x3a: {  	_ = 	snop  }
0x3b: {  	_ = 	snop  }
0x3c: {  	p2 =	seq.s32 s10, $0x1;
	s10 =	sld [smem:$0x3FB6]  }
0x3d: {  	_ =	shalt  }
0x3e: {  	_ =	shalt  }
0x3f: {  	_ =	shalt  }
0x40: {  	_ =	shalt  }
0x41: {  	_ =	shalt  }
0x42: {  	_ =	shalt  }
0x43: {  	_ =	shalt  }
0x44: {  	_ =	shalt  }
0x45: {  	_ =	shalt  }
0x46: {  	_ =	shalt  }
0x47: {  	_ =	shalt  }
0x48: {  	_ =	shalt  }
0x49: {  	_ =	shalt  }
0x4a: {  	_ =	shalt  }
0x4b: {  	_ =	shalt  }
0x4c: {  	_ =	shalt  }
0x4d: {  	_ =	shalt  }
0x4e: {  	_ =	shalt  }
0x4f: {  	_ =	shalt  }
0x50: {  	_ =	shalt  }
0x51: {  	_ =	shalt  }
0x52: {  	_ =	shalt  }
0x53: {  	_ =	shalt  }
0x54: {  	_ =	shalt  }
0x55: {  	_ =	shalt  }
0x56: {  	_ =	shalt  }
0x57: {  	_ =	shalt  }
0x58: {  	_ =	shalt  }
0x59: {  	_ =	shalt  }
0x5a: {  	_ =	shalt  }
0x5b: {  	_ =	shalt  }
0x5c: {  	_ =	shalt  }
0x5d: {  	_ =	shalt  }
0x5e: {  	_ =	shalt  }
0x5f: {  	_ =	shalt  }
0x60: {  	_ =	shalt  }
0x61: {  	_ =	shalt  }
0x62: {  	_ =	shalt  }
0x63: {  	_ =	shalt  }
0x64: {  	_ =	shalt  }
0x65: {  	_ =	shalt  }
0x66: {  	_ =	shalt  }
0x67: {  	_ =	shalt  }
0x68: {  	_ =	shalt  }
0x69: {  	_ =	shalt  }
0x6a: {  	_ =	shalt  }
0x6b: {  	_ =	shalt  }
0x6c: {  	_ =	shalt  }
0x6d: {  	_ =	shalt  }
0x6e: {  	_ =	shalt  }
0x6f: {  	_ =	shalt  }
0x70: {  	_ =	shalt  }
0x71: {  	_ =	shalt  }
0x72: {  	_ =	shalt  }
0x73: {  	_ =	shalt  }
0x74: {  	_ =	shalt  }
0x75: {  	_ =	shalt  }
0x76: {  	_ =	shalt  }
0x77: {  	_ =	shalt  }
0x78: {  	_ =	shalt  }
0x79: {  	_ =	shalt  }
0x7a: {  	_ =	shalt  }
0x7b: {  	_ =	shalt  }
0x7c: {  	_ =	shalt  }
0x7d: {  	_ =	shalt  }
0x7e: {  	_ =	shalt  }
0x7f: {  	_ =	shalt  }
0x80: {  	_ =	shalt  }
0x81: {  	_ =	shalt  }
0x82: {  	_ =	shalt  }
0x83: {  	_ =	shalt  }
0x84: {  	_ =	shalt  }
0x85: {  	_ =	shalt  }
0x86: {  	_ =	shalt  }
0x87: {  	_ =	shalt  }
.Lfunc_end0:
.L_simem_size_0:
called_computation_lowered:
.L_overlay_start_0:
0x88: {  	s2 =	sld [smem:$0x3FD9]  }
0x89: {  	s3 =	sld [smem:$0x3FFE];
	_ =	sdelay $0x1  }
0x8a: {  	s1 =	srdreg.scid  }
0x8b: {  	s0 =	sand.u32 $0x1, s1  }
0x8c: {  	s17 =	sshll.u32 s0, $0xA;
	s2 =	sadd.s32 s3, s2  }
0x8d: {  	s2 =	sadd.s32 s2, s17  }
0x8e: {  	[smem:$0x3FC2] =	sst s2  }
0x8f: {  	_ = 	snop  }
0x90: {  	s2 =	sld [smem:$0x3FC9];
	(tm) =	ssettm $0x1  }
0x91: {  	s18 =	sld [smem:$0x3FFB];
	_ =	sdelay $0x3  }
0x92: {  	_ =	strace s18  }
0x93: {  	s3 =	sld [smem:$0x3FFC];
	_ =	sdelay $0x3  }
0x94: {  	_ =	strace s3  }
0x95: {  	s3 =	sld [smem:$0x3FFD];
	_ =	sdelay $0x3  }
0x96: {  	_ =	strace s3  }
0x97: {  	_ =	strace $0x8FFFFFFF  }
0x98: {  	s19 =	sld [smem:$0x3FDB];
	_ =	sdelay $0x1  }
0x99: {  	s4 =	simm.s32 $_scs_section_size  }
0x9a: {  	s5 =	simm.s32 $_size__tile_overlayer_lowered;
	s6 =	simm.s32 $_tile_overlayer_lowered  }
0x9b: {  	s22 =	simm.s32 $0x1BFF;
	s21 =	sshll.u32 s6, $0x1;
	s3 =	sadd.s32 s4, s19  }
0x9c: {  	s7 =	simm.s32 $0x0;
	s20 =	sshll.u32 s5, $0x1;
	s5 =	sadd.s32 s21, s3  }
0x9d: {  	[timem:s7], [sflag:s22] =	dma.local [hbm:s5], s20  }
0x9e: {  	_ =	swait.ge [sflag:s22], s20  }
0x9f: {  	s4 =	ssub.s32 $0x0, s20;
	[sflag:s22] =	ssyncset.done $0x0  }
0xa0: {  	[sflag:s22] =	ssyncadd.s32 s4;
	_ =	sdelay $0x1  }
0xa1: {  	s23 =	simm.s32 $0x1B8B  }
0xa2: {  	_ =	swait.ge [sflag:s23], $0x1  }
0xa3: {  	[sflag:s23] =	ssyncset.done $0x0  }
0xa4: {  	s25 =	simm.s32 $0x1B8E;
	s24 =	sld [smem:$0x3FFE];
	[sflag:s23] =	ssyncadd.s32 $0xFFFFFFFF  }
0xa5: {  	s26 =	simm.s32 $execute0_lowered;
	[smem:$0x3FD2] =	sst s25  }
0xa6: {  	s5 =	sshll.u32 s26, $0x1;
	_ =	strace $0x80000046;
	[dreg:$0x1] =	wrdreg $0xFFFFFFFF  }
0xa7: {  	s28 =	simm.s32 $_size_execute0_lowered;
	s3 =	sadd.s32 s3, s5;
	[dreg:$0x0] =	wrdreg $0x0  }
0xa8: {  	s5 =	sshll.u32 s28, $0x1;
	[dreg:$0x2] =	wrdreg s3  }
0xa9: {  	[dreg:$0x3] =	wrdreg s5  }
0xaa: {  	[dreg:$0x4] =	wrdreg $0xC0  }
0xab: {  	_ =	task [dreg:s7], $0x5FFFF  }
0xac: {  	[dreg:$0x1] =	wrdreg $0xFFFFFFFF  }
0xad: {  	[dreg:$0x0] =	wrdreg $0x60  }
0xae: {  	[dreg:$0x2] =	wrdreg s2  }
0xaf: {  	[dreg:$0x3] =	wrdreg s24  }
0xb0: {  	[dreg:$0x4] =	wrdreg $0x9  }
0xb1: {  	_ =	task.clear_ibuf [dreg:s7], $0x5FFFF;
	_ =	strace $0x90000046  }
0xb2: {  	s29 =	simm.s32 $0x9;
	_ =	strace $0x80000048  }
0xb3: {  	_ =	swait.ge [sflag:s29], $0x1  }
0xb4: {  	[sflag:s29] =	ssyncadd.s32 $0xFFFFFFFF  }
0xb5: {  	_ =	strace $0x90000048  }
0xb6: {  	_ =	sfence  }
0xb7: {  	s30 =	sld [smem:$0x0];
	_ =	sdelay $0x2  }
0xb8: {  	s31 =	sshll.u32 s1, $0xD;
	s1 =	sshrl.u32 s1, $0x2  }
0xb9: {  	s3 =	sand.u32 $0x4000, s31;
	s1 =	sadd.s32 s1, s30  }
0xba: {  	s0 =	sor.u32 s3, s0;
	s1 =	sshll.u32 s1, $0x11  }
0xbb: {  	s0 =	sor.u32 s1, s0  }
0xbc: {  	s0 =	sadd.s32 $0x8F2B, s0  }
0xbd: {  	[sflag:s0] =	ssyncadd.remote.s32 $0x1  }
0xbe: {  	_ =	sfence.sel $0xFFFF  }
0xbf: {  	[dreg:$0x0] =	wrdreg $0xFFFFFFFF;
	(pc) =	sbr.abs _section_cstart, $3  }
0xc0: {  	[dreg:$0x1] =	wrdreg $0xFFFFFFFF  }
0xc1: {  	_ =	task.clear_ibuf [dreg:s7], $0x2FFFF;
	_ =	strace $0x9FFFFFFF  }
0xc2: {  	(tm) =	ssettm $0x7FFFFFFF  }
0xc3: {  	_ =	shalt  }
tec
execute0_lowered:
.L_overlay_start_1:
0x0: {  	(tag) =	ssettag $0x1  }
0x1: {  	s0 =	stileid.u32;
	s2 =	rddreg [dreg:$0x0]  }
0x2: {  	s1 =	srdreg.scid;
	s5 =	rddreg [dreg:$0x1];
	s3 =	simm.s32 $0x0  }
0x3: {  	s10 =	simm.s32 $0x4400;
	s11 =	simm.s32 $0x1;
	s12 =	simm.s32 $0x2  }
0x4: {  	s13 =	simm.s32 $0x0;
	s4 =	sand.u32 $0x1, s1;
	s1 =	rddreg [dreg:$0x2]  }
0x5: {  	s30 =	sshll.u32 s0, $0x1;
	s6 =	smul.u32 $0x1C800, s0;
	[smem:$0x7FF] =	sst s3  }
0x6: {  	s7 =	sor.u32 s4, s30;
	s8 =	ssub.s32 $0x2, s4;
	s9 =	smul.u32 $0xE400, s4  }
0x7: {  	s7 =	smul.u32 $0x280, s7;
	s6 =	sadd.s32 s6, s5;
	s31 =	sshrl.u32 s8, $0x1  }
0x8: {  	_ =	strace $0x80000047;
	s8 =	ssub.s32 s8, s31;
	s6 =	sadd.s32 s9, s6  }
0x9: {  	s9 =	simm.s32 $0x1400;
	s4 =	sadd.s32 s5, s7;
	s5 =	smax.u32 s8, $0x1  }
0xa: {  	s6 =	sadd.s32 $0x5000, s6;
	s7 =	simm.s32 $0x3;
	s8 =	simm.s32 $0x60  }
.LBB2_1:
0xb: {  	[tilespmem:s3], [sflag:$0x3] =	stream.linear.gather [hbm4b:s4+s3], $0x1300, $0x38;
	[tilespmem:$0x7400] =	vst v63  }
0xc: {  	_ =	swait.ge [sflag:s7], $0x1300  }
0xd: {  	[sflag:s7] =	ssyncset.done $0x0  }
0xe: {  	s14 =	simm.s32 $0x0;
	[sflag:s7] =	ssyncadd.s32 $0xFFFFED00  }
0xf: {  	[tilespmem:s9], [sflag:$0x1] =	stream.indirect.gather [hbm4b:s2+s8], $0x80, s14, s8, $0xb8;
	[tilespmem:$0x7400] =	vst v63  }
0x10: {  	s30 =	simm.s32 $0x80  }
0x11: {  	[tilespmem:s10], [sflag:$0x2] =	stream.indirect.gather [hbm4b:s2+s8], $0x80, s30, s8, $0xb8;
	[tilespmem:$0x7400] =	vst v63  }
0x12: {  	_ =	swait.ge [sflag:s11], $0x3000  }
0x13: {  	[sflag:s11] =	ssyncset.done $0x0  }
0x14: {  	[sflag:s11] =	ssyncadd.s32 $0xFFFFD000  }
0x15: {  	[hbm4b:s6+s3] =	stream.linear.scatter [tilespmem:s9], [sflag:$0x3], $0x3000, $0x38;
	[tilespmem:$0x7400] =	vst v63  }
0x16: {  	_ =	swait.ge [sflag:s7], $0x3000  }
0x17: {  	[sflag:s7] =	ssyncset.done $0x0  }
0x18: {  	[sflag:s7] =	ssyncadd.s32 $0xFFFFD000  }
0x19: {  	_ =	swait.ge [sflag:s12], $0x3000  }
0x1a: {  	[sflag:s12] =	ssyncset.done $0x0  }
0x1b: {  	s31 =	sadd.s32 $0x600, s6;
	[sflag:s12] =	ssyncadd.s32 $0xFFFFD000  }
0x1c: {  	[hbm4b:s31+s3] =	stream.linear.scatter [tilespmem:s10], [sflag:$0x3], $0x3000, $0x38;
	[tilespmem:$0x7400] =	vst v63  }
0x1d: {  	s15 =	simm.s32 $0x400;
	_ =	swait.ge [sflag:s7], $0x3000  }
0x1e: {  	s16 =	simm.s32 $0x800;
	s14 =	sadd.s32 $0xC00, s6;
	[sflag:s7] =	ssyncset.done $0x0  }
.LBB2_2:
0x1f: {  	s17 =	sshra.s32 s15, $0x2  }
0x20: {  	[sflag:s7] =	ssyncadd.s32 $0xFFFFD000;
	s15 =	smov.u32 s16;
	s18 =	sadd.s32 $0x400, s16  }
0x21: {  	[tilespmem:s9], [sflag:$0x1] =	stream.indirect.gather [hbm4b:s2+s8], $0x80, s17, s8, $0xb8;
	[tilespmem:$0x7400] =	vst v63  }
0x22: {  	p0 =	sne.s32 s16, $0x4800;
	s16 =	sadd.s32 $0x80, s17  }
0x23: {  	[tilespmem:s10], [sflag:$0x2] =	stream.indirect.gather [hbm4b:s2+s8], $0x80, s16, s8, $0xb8;
	[tilespmem:$0x7400] =	vst v63  }
0x24: {  	_ =	swait.ge [sflag:s11], $0x3000  }
0x25: {  	[sflag:s11] =	ssyncset.done $0x0  }
0x26: {  	[sflag:s11] =	ssyncadd.s32 $0xFFFFD000  }
0x27: {  	[hbm4b:s14+s3] =	stream.linear.scatter [tilespmem:s9], [sflag:$0x3], $0x3000, $0x38;
	[tilespmem:$0x7400] =	vst v63  }
0x28: {  	_ =	swait.ge [sflag:s7], $0x3000  }
0x29: {  	[sflag:s7] =	ssyncset.done $0x0  }
0x2a: {  	[sflag:s7] =	ssyncadd.s32 $0xFFFFD000  }
0x2b: {  	_ =	swait.ge [sflag:s12], $0x3000  }
.Ltmp0:
0x2c: {  	[sflag:s12] =	ssyncset.done $0x0;
	(pc) =	sbr.rel @p0 .LBB2_2-.Ltmp0, $4  }
0x2d: {  	s16 =	sadd.s32 $0x600, s14;
	[sflag:s12] =	ssyncadd.s32 $0xFFFFD000  }
0x2e: {  	[hbm4b:s16+s3] =	stream.linear.scatter [tilespmem:s10], [sflag:$0x3], $0x3000, $0x38;
	[tilespmem:$0x7400] =	vst v63  }
0x2f: {  	_ =	swait.ge [sflag:s7], $0x3000  }
0x30: {  	s14 =	sadd.s32 $0xC00, s14;
	s16 =	smov.u32 s18;
	[sflag:s7] =	ssyncset.done $0x0  }
0x31: {  	s15 =	sshra.s32 s15, $0x2;
	[sflag:s7] =	ssyncadd.s32 $0xFFFFD000  }
0x32: {  	[tilespmem:s9], [sflag:$0x1] =	stream.indirect.gather [hbm4b:s2+s8], $0x80, s15, s8, $0xb8;
	[tilespmem:$0x7400] =	vst v63  }
0x33: {  	s15 =	sadd.s32 $0x80, s15  }
0x34: {  	[tilespmem:s10], [sflag:$0x2] =	stream.indirect.gather [hbm4b:s2+s8], $0x80, s15, s8, $0xb8;
	[tilespmem:$0x7400] =	vst v63  }
0x35: {  	_ =	swait.ge [sflag:s11], $0x3000  }
0x36: {  	[sflag:s11] =	ssyncset.done $0x0  }
0x37: {  	[sflag:s11] =	ssyncadd.s32 $0xFFFFD000  }
0x38: {  	[hbm4b:s14+s3] =	stream.linear.scatter [tilespmem:s9], [sflag:$0x3], $0x3000, $0x38;
	[tilespmem:$0x7400] =	vst v63  }
0x39: {  	_ =	swait.ge [sflag:s7], $0x3000  }
0x3a: {  	[sflag:s7] =	ssyncset.done $0x0  }
0x3b: {  	[sflag:s7] =	ssyncadd.s32 $0xFFFFD000  }
0x3c: {  	s13 =	sadd.s32 $0x1, s13;
	_ =	swait.ge [sflag:s12], $0x3000  }
0x3d: {  	p0 =	sne.s32 s13, s5;
	[sflag:s12] =	ssyncset.done $0x0  }
.Ltmp1:
0x3e: {  	s31 =	sadd.s32 $0x600, s14;
	[sflag:s12] =	ssyncadd.s32 $0xFFFFD000;
	(pc) =	sbr.rel @p0 .LBB2_1-.Ltmp1, $4  }
0x3f: {  	[hbm4b:s31+s3] =	stream.linear.scatter [tilespmem:s10], [sflag:$0x3], $0x3000, $0x38;
	[tilespmem:$0x7400] =	vst v63  }
0x40: {  	_ =	swait.ge [sflag:s7], $0x3000  }
0x41: {  	[sflag:s7] =	ssyncset.done $0x0  }
0x42: {  	[sflag:s7] =	ssyncadd.s32 $0xFFFFD000  }
0x43: {  	_ =	sfence.sel $0x180000  }
0x44: {  	[bflag:$0x0] =	sbarrier.arrive $0xFFFF  }
0x45: {  	p0 =	sne.s32 s0, $0x0;
	_ =	strace $0x90000047  }
0x46: {  	s0 =	sadd.s32 @!p0 $0x100000, s1;
	[bflag:$0x2] =	sbarrier.arrive $0xFFFF  }
0x47: {  	[sflag:s0] =	ssyncadd.tile.s32 @!p0 $0x1;
	_ =	shalt  }
.Lfunc_end2:
_tile_overlayer_lowered:
.L_overlay_start_2:
0x48: {  	(tag) =	ssettag $0x2  }
0x49: {  	s0 =	rddreg [dreg:$0x0];
	s2 =	stileid.u32  }
0x4a: {  	s1 =	rddreg [dreg:$0x1];
	p0 =	sne.s32 s2, $0x0  }
0x4b: {  	s3 =	rddreg [dreg:$0x2];
	[bflag:$0x3] =	sbarrier.arrive $0xFFFF;
	s2 =	simm.s32 @!p0 $0x1C03  }
0x4c: {  	[timem:s3], [sflag:s2] =	dma.local @!p0 [hbm:s0], s1  }
0x4d: {  	s0 =	simm.s32 @!p0 $0x3  }
0x4e: {  	_ =	swait.ge @!p0 [sflag:s0], s1  }
0x4f: {  	s1 =	ssub.s32 @!p0 $0x0, s1;
	[sflag:s0] =	ssyncset.done @!p0 $0x0  }
0x50: {  	[sflag:s0] =	ssyncadd.s32 @!p0 s1  }
0x51: {  	[bflag:$0x3] =	sbarrier.arrive $0xFFFF  }
0x52: {  	_ =	shalt  }

</sc_bundles>
